<compile_context>
chip_gen: v7x
topology: tpu7x:2x2x1
jax: 0.10.2.dev20260603
libtpu: 0.0.44.dev20260713+nightly
codegen_flags: <defaults>
</compile_context>

<pallas_src>
import jax
import jax.numpy as jnp
from jax import lax
from jax.experimental import pallas as pl
from jax.experimental.pallas import tpu as pltpu
from jax.experimental.pallas import tpu_sc as plsc

ELEMENTS = 256
H, W = 512, 512
SLOTS_PER_BLOCK = 4
NBLK = ELEMENTS // SLOTS_PER_BLOCK
BIG = 1 << 30


def _zero_kernel(out_ref):
    out_ref[...] = jnp.zeros((SLOTS_PER_BLOCK, H, W), jnp.float32)


def _sc_idx_kernel(ran_hbm, valid_hbm, idx_hbm, vbuf, rbuf, ibuf):
    c = lax.axis_index("c")
    s = lax.axis_index("s")
    wid = s * 2 + c

    @pl.when(wid == 0)
    def _():
        pltpu.sync_copy(valid_hbm, vbuf)
        pltpu.sync_copy(ran_hbm, rbuf)

        def scan_free(j, m):
            v = vbuf[pl.ds(j * 16, 16)]
            for k in range(16):
                m = jnp.where((m == BIG) & (v[k] == 0), j * 16 + k, m)
            return m

        first_free = lax.fori_loop(0, ELEMENTS // 16, scan_free,
                                   jnp.int32(BIG))
        idx = jnp.where(first_free < BIG, first_free, rbuf[pl.ds(0, 16)][0])
        ibuf[...] = jnp.full((16,), idx, jnp.int32)
        pltpu.sync_copy(ibuf, idx_hbm)


def _scatter_kernel(idx_ref, elem_ref, outa_ref, out_ref, sem):
    del outa_ref
    idx = idx_ref[0]
    cp = pltpu.make_async_copy(elem_ref, out_ref.at[idx], sem)
    cp.start()
    cp.wait()


def kernel(element, storage, valid, bin):
    ran = jax.random.randint(
        jax.random.key(1), (valid.shape[0], 1), 0, 20)[0, 0]
    ran = (ran + bin * 0).astype(jnp.int32)
    ranv = jnp.full((16,), ran, jnp.int32)
    valid_i32 = valid.astype(jnp.int32)

    zeros = pl.pallas_call(
        _zero_kernel,
        grid=(NBLK,),
        out_specs=pl.BlockSpec((SLOTS_PER_BLOCK, H, W), lambda b: (b, 0, 0)),
        out_shape=jax.ShapeDtypeStruct((ELEMENTS, H, W), jnp.float32),
    )()

    mesh = plsc.VectorSubcoreMesh(core_axis_name="c", subcore_axis_name="s")
    idx16 = pl.kernel(
        _sc_idx_kernel,
        mesh=mesh,
        out_type=jax.ShapeDtypeStruct((16,), jnp.int32),
        scratch_types=[
            pltpu.VMEM((ELEMENTS,), jnp.int32),
            pltpu.VMEM((16,), jnp.int32),
            pltpu.VMEM((16,), jnp.int32),
        ],
    )(ranv, valid_i32)

    return pl.pallas_call(
        _scatter_kernel,
        in_specs=[
            pl.BlockSpec(memory_space=pltpu.SMEM),
            pl.BlockSpec(memory_space=pl.ANY),
            pl.BlockSpec(memory_space=pl.ANY),
        ],
        out_specs=pl.BlockSpec(memory_space=pl.ANY),
        out_shape=jax.ShapeDtypeStruct((ELEMENTS, H, W), jnp.float32),
        scratch_shapes=[pltpu.SemaphoreType.DMA],
        input_output_aliases={2: 0},
    )(idx16, element, zeros)

# --- scband reference (transcript-rebuilt; emitter-appended) ---
"""Pipeline reference for scband-latent-replay-buffer-44384192037032 (READ-ONLY COPY).

The authoritative reference and input builder live on the scoring server;
editing this copy changes nothing except your own understanding.
"""

import jax, jax.numpy as jnp
import numpy as np

ELEMENTS = 256
SIZE = (512, 512)


def setup_inputs(seed: int = 0) -> dict:
    key = jax.random.key(seed)
    element = jax.random.normal(key, SIZE, dtype=jnp.float32)
    # Buffer state from __init__: storage zeros, valid = (storage == 1)[:, (0,0)] -> all False
    storage = jnp.zeros((ELEMENTS,) + SIZE, dtype=jnp.float32)
    valid = jnp.zeros((ELEMENTS,), dtype=bool)
    return {"element": element, "storage": storage, "valid": valid, "bin": 0}


def reference(element, storage, valid, bin):
    # Faithful translation of LatentReplayBuffer.add(element, bin)
    free = valid == False
    # first free slot (torch.where(free)[0][0])
    first_free = jnp.argmax(free)
    ran = jax.random.randint(jax.random.key(1), (valid.shape[0], 1), 0, 20)[0, 0]
    idx = jnp.where(jnp.sum(free) != 0, first_free, ran)
    idx = idx + bin * 0
    new_storage = storage.at[idx].set(element)
    return new_storage

if __name__ == "__main__":
    import jax
    _d = setup_inputs()
    print(jax.jit(kernel)(*tuple(_d.values())))

</pallas_src>

<mosaic_0001>
#map = affine_map<(d0, d1) -> (0)>
module attributes {stable_mosaic.version = 14 : i64} {
  func.func @_sc_idx_kernel(%arg0: i32, %arg1: i32, %arg2: memref<16xi32, #tpu.memory_space<hbm>>, %arg3: memref<256xi32, #tpu.memory_space<hbm>>, %arg4: memref<16xi32, #tpu.memory_space<hbm>>, %arg5: memref<256xi32, #tpu.memory_space<vmem>>, %arg6: memref<16xi32, #tpu.memory_space<vmem>>, %arg7: memref<16xi32, #tpu.memory_space<vmem>>) attributes {dimension_semantics = [#tpu.dimension_semantics<core_parallel>, #tpu.dimension_semantics<subcore_parallel>], iteration_bounds = array<i64: 2, 16>, scalar_prefetch = 0 : i64, scratch_operands = 3 : i64, tpu.core_type = #tpu.core_type<sc_vector_subcore>, window_params = [{transform_indices = #map}, {transform_indices = #map}, {transform_indices = #map}]} {
    %mul3A = arith.constant 2 : i32
    %mul3A_0 = arith.muli %arg1, %mul3A : i32
    %add3A = arith.addi %mul3A_0, %arg0 : i32
    %eq3A = arith.constant 0 : i32
    %eq3A_1 = arith.cmpi eq, %add3A, %eq3A : i32
    %convert_element_type3A = arith.extui %eq3A_1 : i1 to i32
    %cond3A = arith.constant 0 : i32
    %cond3A_2 = arith.cmpi ne, %convert_element_type3A, %cond3A : i32
    scf.if %cond3A_2 {
      "tpu.region"() ({
        %run_scoped3A = tpu.sem_alloc : memref<!tpu.dma_semaphore, #tpu.memory_space<semaphore_mem>>
        tpu.enqueue_dma source(%arg3 : memref<256xi32, #tpu.memory_space<hbm>>) target(%arg5 : memref<256xi32, #tpu.memory_space<vmem>>) target_semaphore(%run_scoped3A : memref<!tpu.dma_semaphore, #tpu.memory_space<semaphore_mem>>)
        tpu.wait_dma2 semaphore(%run_scoped3A : memref<!tpu.dma_semaphore, #tpu.memory_space<semaphore_mem>>) src(%arg3 : memref<256xi32, #tpu.memory_space<hbm>>) dst(%arg5 : memref<256xi32, #tpu.memory_space<vmem>>)
        tpu.yield
      }) : () -> ()
      "tpu.region"() ({
        %run_scoped3A = tpu.sem_alloc : memref<!tpu.dma_semaphore, #tpu.memory_space<semaphore_mem>>
        tpu.enqueue_dma source(%arg2 : memref<16xi32, #tpu.memory_space<hbm>>) target(%arg6 : memref<16xi32, #tpu.memory_space<vmem>>) target_semaphore(%run_scoped3A : memref<!tpu.dma_semaphore, #tpu.memory_space<semaphore_mem>>)
        tpu.wait_dma2 semaphore(%run_scoped3A : memref<!tpu.dma_semaphore, #tpu.memory_space<semaphore_mem>>) src(%arg2 : memref<16xi32, #tpu.memory_space<hbm>>) dst(%arg6 : memref<16xi32, #tpu.memory_space<vmem>>)
        tpu.yield
      }) : () -> ()
      %scan3A = arith.constant 1073741824 : i32
      %scan3A_3 = arith.constant 0 : i32
      %scan3A_4 = arith.constant 16 : i32
      %scan3A_5 = arith.addi %scan3A_3, %scan3A_4 : i32
      %scan3A_6 = arith.constant 1 : i32
      %scan3A_7 = scf.for %scan3A_15 = %scan3A_3 to %scan3A_5 step %scan3A_6 iter_args(%scan3A_16 = %scan3A) -> (i32)  : i32 {
        %mul3A_17 = arith.constant 16 : i32
        %mul3A_18 = arith.muli %scan3A_15, %mul3A_17 : i32
        %get3A_19 = arith.index_cast %mul3A_18 : i32 to index
        %get3A_20 = tpu.vector_load %arg5[%get3A_19] {strides = array<i32>} : memref<256xi32, #tpu.memory_space<vmem>>, vector<16xi32>,
        %get3A_21 = vector.shape_cast %get3A_20 : vector<16xi32> to vector<16xi32>
        %eq3A_22 = arith.constant 1073741824 : i32
        %eq3A_23 = arith.cmpi eq, %scan3A_16, %eq3A_22 : i32
        %slice3A_24 = vector.extract_strided_slice %get3A_21 {offsets = [0], sizes = [1], strides = [1]} : vector<16xi32> to vector<1xi32>
        %squeeze3A_25 = vector.extract %slice3A_24[0] : i32 from vector<1xi32>
        %eq3A_26 = arith.constant 0 : i32
        %eq3A_27 = arith.cmpi eq, %squeeze3A_25, %eq3A_26 : i32
        %and3A = arith.andi %eq3A_23, %eq3A_27 : i1
        %mul3A_28 = arith.constant 16 : i32
        %mul3A_29 = arith.muli %scan3A_15, %mul3A_28 : i32
        %add3A_30 = arith.constant 0 : i32
        %add3A_31 = arith.addi %mul3A_29, %add3A_30 : i32
        %select_n3A_32 = arith.select %and3A, %add3A_31, %scan3A_16 : i32
        %eq3A_33 = arith.constant 1073741824 : i32
        %eq3A_34 = arith.cmpi eq, %select_n3A_32, %eq3A_33 : i32
        %slice3A_35 = vector.extract_strided_slice %get3A_21 {offsets = [1], sizes = [1], strides = [1]} : vector<16xi32> to vector<1xi32>
        %squeeze3A_36 = vector.extract %slice3A_35[0] : i32 from vector<1xi32>
        %eq3A_37 = arith.constant 0 : i32
        %eq3A_38 = arith.cmpi eq, %squeeze3A_36, %eq3A_37 : i32
        %and3A_39 = arith.andi %eq3A_34, %eq3A_38 : i1
        %mul3A_40 = arith.constant 16 : i32
        %mul3A_41 = arith.muli %scan3A_15, %mul3A_40 : i32
        %add3A_42 = arith.constant 1 : i32
        %add3A_43 = arith.addi %mul3A_41, %add3A_42 : i32
        %select_n3A_44 = arith.select %and3A_39, %add3A_43, %select_n3A_32 : i32
        %eq3A_45 = arith.constant 1073741824 : i32
        %eq3A_46 = arith.cmpi eq, %select_n3A_44, %eq3A_45 : i32
        %slice3A_47 = vector.extract_strided_slice %get3A_21 {offsets = [2], sizes = [1], strides = [1]} : vector<16xi32> to vector<1xi32>
        %squeeze3A_48 = vector.extract %slice3A_47[0] : i32 from vector<1xi32>
        %eq3A_49 = arith.constant 0 : i32
        %eq3A_50 = arith.cmpi eq, %squeeze3A_48, %eq3A_49 : i32
        %and3A_51 = arith.andi %eq3A_46, %eq3A_50 : i1
        %mul3A_52 = arith.constant 16 : i32
        %mul3A_53 = arith.muli %scan3A_15, %mul3A_52 : i32
        %add3A_54 = arith.constant 2 : i32
        %add3A_55 = arith.addi %mul3A_53, %add3A_54 : i32
        %select_n3A_56 = arith.select %and3A_51, %add3A_55, %select_n3A_44 : i32
        %eq3A_57 = arith.constant 1073741824 : i32
        %eq3A_58 = arith.cmpi eq, %select_n3A_56, %eq3A_57 : i32
        %slice3A_59 = vector.extract_strided_slice %get3A_21 {offsets = [3], sizes = [1], strides = [1]} : vector<16xi32> to vector<1xi32>
        %squeeze3A_60 = vector.extract %slice3A_59[0] : i32 from vector<1xi32>
        %eq3A_61 = arith.constant 0 : i32
        %eq3A_62 = arith.cmpi eq, %squeeze3A_60, %eq3A_61 : i32
        %and3A_63 = arith.andi %eq3A_58, %eq3A_62 : i1
        %mul3A_64 = arith.constant 16 : i32
        %mul3A_65 = arith.muli %scan3A_15, %mul3A_64 : i32
        %add3A_66 = arith.constant 3 : i32
        %add3A_67 = arith.addi %mul3A_65, %add3A_66 : i32
        %select_n3A_68 = arith.select %and3A_63, %add3A_67, %select_n3A_56 : i32
        %eq3A_69 = arith.constant 1073741824 : i32
        %eq3A_70 = arith.cmpi eq, %select_n3A_68, %eq3A_69 : i32
        %slice3A_71 = vector.extract_strided_slice %get3A_21 {offsets = [4], sizes = [1], strides = [1]} : vector<16xi32> to vector<1xi32>
        %squeeze3A_72 = vector.extract %slice3A_71[0] : i32 from vector<1xi32>
        %eq3A_73 = arith.constant 0 : i32
        %eq3A_74 = arith.cmpi eq, %squeeze3A_72, %eq3A_73 : i32
        %and3A_75 = arith.andi %eq3A_70, %eq3A_74 : i1
        %mul3A_76 = arith.constant 16 : i32
        %mul3A_77 = arith.muli %scan3A_15, %mul3A_76 : i32
        %add3A_78 = arith.constant 4 : i32
        %add3A_79 = arith.addi %mul3A_77, %add3A_78 : i32
        %select_n3A_80 = arith.select %and3A_75, %add3A_79, %select_n3A_68 : i32
        %eq3A_81 = arith.constant 1073741824 : i32
        %eq3A_82 = arith.cmpi eq, %select_n3A_80, %eq3A_81 : i32
        %slice3A_83 = vector.extract_strided_slice %get3A_21 {offsets = [5], sizes = [1], strides = [1]} : vector<16xi32> to vector<1xi32>
        %squeeze3A_84 = vector.extract %slice3A_83[0] : i32 from vector<1xi32>
        %eq3A_85 = arith.constant 0 : i32
        %eq3A_86 = arith.cmpi eq, %squeeze3A_84, %eq3A_85 : i32
        %and3A_87 = arith.andi %eq3A_82, %eq3A_86 : i1
        %mul3A_88 = arith.constant 16 : i32
        %mul3A_89 = arith.muli %scan3A_15, %mul3A_88 : i32
        %add3A_90 = arith.constant 5 : i32
        %add3A_91 = arith.addi %mul3A_89, %add3A_90 : i32
        %select_n3A_92 = arith.select %and3A_87, %add3A_91, %select_n3A_80 : i32
        %eq3A_93 = arith.constant 1073741824 : i32
        %eq3A_94 = arith.cmpi eq, %select_n3A_92, %eq3A_93 : i32
        %slice3A_95 = vector.extract_strided_slice %get3A_21 {offsets = [6], sizes = [1], strides = [1]} : vector<16xi32> to vector<1xi32>
        %squeeze3A_96 = vector.extract %slice3A_95[0] : i32 from vector<1xi32>
        %eq3A_97 = arith.constant 0 : i32
        %eq3A_98 = arith.cmpi eq, %squeeze3A_96, %eq3A_97 : i32
        %and3A_99 = arith.andi %eq3A_94, %eq3A_98 : i1
        %mul3A_100 = arith.constant 16 : i32
        %mul3A_101 = arith.muli %scan3A_15, %mul3A_100 : i32
        %add3A_102 = arith.constant 6 : i32
        %add3A_103 = arith.addi %mul3A_101, %add3A_102 : i32
        %select_n3A_104 = arith.select %and3A_99, %add3A_103, %select_n3A_92 : i32
        %eq3A_105 = arith.constant 1073741824 : i32
        %eq3A_106 = arith.cmpi eq, %select_n3A_104, %eq3A_105 : i32
        %slice3A_107 = vector.extract_strided_slice %get3A_21 {offsets = [7], sizes = [1], strides = [1]} : vector<16xi32> to vector<1xi32>
        %squeeze3A_108 = vector.extract %slice3A_107[0] : i32 from vector<1xi32>
        %eq3A_109 = arith.constant 0 : i32
        %eq3A_110 = arith.cmpi eq, %squeeze3A_108, %eq3A_109 : i32
        %and3A_111 = arith.andi %eq3A_106, %eq3A_110 : i1
        %mul3A_112 = arith.constant 16 : i32
        %mul3A_113 = arith.muli %scan3A_15, %mul3A_112 : i32
        %add3A_114 = arith.constant 7 : i32
        %add3A_115 = arith.addi %mul3A_113, %add3A_114 : i32
        %select_n3A_116 = arith.select %and3A_111, %add3A_115, %select_n3A_104 : i32
        %eq3A_117 = arith.constant 1073741824 : i32
        %eq3A_118 = arith.cmpi eq, %select_n3A_116, %eq3A_117 : i32
        %slice3A_119 = vector.extract_strided_slice %get3A_21 {offsets = [8], sizes = [1], strides = [1]} : vector<16xi32> to vector<1xi32>
        %squeeze3A_120 = vector.extract %slice3A_119[0] : i32 from vector<1xi32>
        %eq3A_121 = arith.constant 0 : i32
        %eq3A_122 = arith.cmpi eq, %squeeze3A_120, %eq3A_121 : i32
        %and3A_123 = arith.andi %eq3A_118, %eq3A_122 : i1
        %mul3A_124 = arith.constant 16 : i32
        %mul3A_125 = arith.muli %scan3A_15, %mul3A_124 : i32
        %add3A_126 = arith.constant 8 : i32
        %add3A_127 = arith.addi %mul3A_125, %add3A_126 : i32
        %select_n3A_128 = arith.select %and3A_123, %add3A_127, %select_n3A_116 : i32
        %eq3A_129 = arith.constant 1073741824 : i32
        %eq3A_130 = arith.cmpi eq, %select_n3A_128, %eq3A_129 : i32
        %slice3A_131 = vector.extract_strided_slice %get3A_21 {offsets = [9], sizes = [1], strides = [1]} : vector<16xi32> to vector<1xi32>
        %squeeze3A_132 = vector.extract %slice3A_131[0] : i32 from vector<1xi32>
        %eq3A_133 = arith.constant 0 : i32
        %eq3A_134 = arith.cmpi eq, %squeeze3A_132, %eq3A_133 : i32
        %and3A_135 = arith.andi %eq3A_130, %eq3A_134 : i1
        %mul3A_136 = arith.constant 16 : i32
        %mul3A_137 = arith.muli %scan3A_15, %mul3A_136 : i32
        %add3A_138 = arith.constant 9 : i32
        %add3A_139 = arith.addi %mul3A_137, %add3A_138 : i32
        %select_n3A_140 = arith.select %and3A_135, %add3A_139, %select_n3A_128 : i32
        %eq3A_141 = arith.constant 1073741824 : i32
        %eq3A_142 = arith.cmpi eq, %select_n3A_140, %eq3A_141 : i32
        %slice3A_143 = vector.extract_strided_slice %get3A_21 {offsets = [10], sizes = [1], strides = [1]} : vector<16xi32> to vector<1xi32>
        %squeeze3A_144 = vector.extract %slice3A_143[0] : i32 from vector<1xi32>
        %eq3A_145 = arith.constant 0 : i32
        %eq3A_146 = arith.cmpi eq, %squeeze3A_144, %eq3A_145 : i32
        %and3A_147 = arith.andi %eq3A_142, %eq3A_146 : i1
        %mul3A_148 = arith.constant 16 : i32
        %mul3A_149 = arith.muli %scan3A_15, %mul3A_148 : i32
        %add3A_150 = arith.constant 10 : i32
        %add3A_151 = arith.addi %mul3A_149, %add3A_150 : i32
        %select_n3A_152 = arith.select %and3A_147, %add3A_151, %select_n3A_140 : i32
        %eq3A_153 = arith.constant 1073741824 : i32
        %eq3A_154 = arith.cmpi eq, %select_n3A_152, %eq3A_153 : i32
        %slice3A_155 = vector.extract_strided_slice %get3A_21 {offsets = [11], sizes = [1], strides = [1]} : vector<16xi32> to vector<1xi32>
        %squeeze3A_156 = vector.extract %slice3A_155[0] : i32 from vector<1xi32>
        %eq3A_157 = arith.constant 0 : i32
        %eq3A_158 = arith.cmpi eq, %squeeze3A_156, %eq3A_157 : i32
        %and3A_159 = arith.andi %eq3A_154, %eq3A_158 : i1
        %mul3A_160 = arith.constant 16 : i32
        %mul3A_161 = arith.muli %scan3A_15, %mul3A_160 : i32
        %add3A_162 = arith.constant 11 : i32
        %add3A_163 = arith.addi %mul3A_161, %add3A_162 : i32
        %select_n3A_164 = arith.select %and3A_159, %add3A_163, %select_n3A_152 : i32
        %eq3A_165 = arith.constant 1073741824 : i32
        %eq3A_166 = arith.cmpi eq, %select_n3A_164, %eq3A_165 : i32
        %slice3A_167 = vector.extract_strided_slice %get3A_21 {offsets = [12], sizes = [1], strides = [1]} : vector<16xi32> to vector<1xi32>
        %squeeze3A_168 = vector.extract %slice3A_167[0] : i32 from vector<1xi32>
        %eq3A_169 = arith.constant 0 : i32
        %eq3A_170 = arith.cmpi eq, %squeeze3A_168, %eq3A_169 : i32
        %and3A_171 = arith.andi %eq3A_166, %eq3A_170 : i1
        %mul3A_172 = arith.constant 16 : i32
        %mul3A_173 = arith.muli %scan3A_15, %mul3A_172 : i32
        %add3A_174 = arith.constant 12 : i32
        %add3A_175 = arith.addi %mul3A_173, %add3A_174 : i32
        %select_n3A_176 = arith.select %and3A_171, %add3A_175, %select_n3A_164 : i32
        %eq3A_177 = arith.constant 1073741824 : i32
        %eq3A_178 = arith.cmpi eq, %select_n3A_176, %eq3A_177 : i32
        %slice3A_179 = vector.extract_strided_slice %get3A_21 {offsets = [13], sizes = [1], strides = [1]} : vector<16xi32> to vector<1xi32>
        %squeeze3A_180 = vector.extract %slice3A_179[0] : i32 from vector<1xi32>
        %eq3A_181 = arith.constant 0 : i32
        %eq3A_182 = arith.cmpi eq, %squeeze3A_180, %eq3A_181 : i32
        %and3A_183 = arith.andi %eq3A_178, %eq3A_182 : i1
        %mul3A_184 = arith.constant 16 : i32
        %mul3A_185 = arith.muli %scan3A_15, %mul3A_184 : i32
        %add3A_186 = arith.constant 13 : i32
        %add3A_187 = arith.addi %mul3A_185, %add3A_186 : i32
        %select_n3A_188 = arith.select %and3A_183, %add3A_187, %select_n3A_176 : i32
        %eq3A_189 = arith.constant 1073741824 : i32
        %eq3A_190 = arith.cmpi eq, %select_n3A_188, %eq3A_189 : i32
        %slice3A_191 = vector.extract_strided_slice %get3A_21 {offsets = [14], sizes = [1], strides = [1]} : vector<16xi32> to vector<1xi32>
        %squeeze3A_192 = vector.extract %slice3A_191[0] : i32 from vector<1xi32>
        %eq3A_193 = arith.constant 0 : i32
        %eq3A_194 = arith.cmpi eq, %squeeze3A_192, %eq3A_193 : i32
        %and3A_195 = arith.andi %eq3A_190, %eq3A_194 : i1
        %mul3A_196 = arith.constant 16 : i32
        %mul3A_197 = arith.muli %scan3A_15, %mul3A_196 : i32
        %add3A_198 = arith.constant 14 : i32
        %add3A_199 = arith.addi %mul3A_197, %add3A_198 : i32
        %select_n3A_200 = arith.select %and3A_195, %add3A_199, %select_n3A_188 : i32
        %eq3A_201 = arith.constant 1073741824 : i32
        %eq3A_202 = arith.cmpi eq, %select_n3A_200, %eq3A_201 : i32
        %slice3A_203 = vector.extract_strided_slice %get3A_21 {offsets = [15], sizes = [1], strides = [1]} : vector<16xi32> to vector<1xi32>
        %squeeze3A_204 = vector.extract %slice3A_203[0] : i32 from vector<1xi32>
        %eq3A_205 = arith.constant 0 : i32
        %eq3A_206 = arith.cmpi eq, %squeeze3A_204, %eq3A_205 : i32
        %and3A_207 = arith.andi %eq3A_202, %eq3A_206 : i1
        %mul3A_208 = arith.constant 16 : i32
        %mul3A_209 = arith.muli %scan3A_15, %mul3A_208 : i32
        %add3A_210 = arith.constant 15 : i32
        %add3A_211 = arith.addi %mul3A_209, %add3A_210 : i32
        %select_n3A_212 = arith.select %and3A_207, %add3A_211, %select_n3A_200 : i32
        scf.yield %select_n3A_212 : i32
      }
      %scan3A_8 = arith.constant 16 : i32
      %lt3A = arith.constant 1073741824 : i32
      %lt3A_9 = arith.cmpi slt, %scan3A_7, %lt3A : i32
      %get3A = arith.constant 0 : index
      %get3A_10 = tpu.vector_load %arg6[%get3A] {strides = array<i32>} : memref<16xi32, #tpu.memory_space<vmem>>, vector<16xi32>,
      %get3A_11 = vector.shape_cast %get3A_10 : vector<16xi32> to vector<16xi32>
      %slice3A = vector.extract_strided_slice %get3A_11 {offsets = [0], sizes = [1], strides = [1]} : vector<16xi32> to vector<1xi32>
      %squeeze3A = vector.extract %slice3A[0] : i32 from vector<1xi32>
      %select_n3A = arith.select %lt3A_9, %scan3A_7, %squeeze3A : i32
      %broadcast_in_dim3A = vector.broadcast %select_n3A : i32 to vector<16xi32>
      %swap3A = arith.constant 0 : index
      %swap3A_12 = tpu.vector_load %arg7[%swap3A] {strides = array<i32>} : memref<16xi32, #tpu.memory_space<vmem>>, vector<16xi32>,
      %swap3A_13 = vector.shape_cast %swap3A_12 : vector<16xi32> to vector<16xi32>
      %swap3A_14 = vector.shape_cast %broadcast_in_dim3A : vector<16xi32> to vector<16xi32>
      tpu.vector_store %arg7[%swap3A], %swap3A_14 {strides = array<i32>} : memref<16xi32, #tpu.memory_space<vmem>>, vector<16xi32>,
      "tpu.region"() ({
        %run_scoped3A = tpu.sem_alloc : memref<!tpu.dma_semaphore, #tpu.memory_space<semaphore_mem>>
        tpu.enqueue_dma source(%arg7 : memref<16xi32, #tpu.memory_space<vmem>>) target(%arg4 : memref<16xi32, #tpu.memory_space<hbm>>) target_semaphore(%run_scoped3A : memref<!tpu.dma_semaphore, #tpu.memory_space<semaphore_mem>>)
        tpu.wait_dma2 semaphore(%run_scoped3A : memref<!tpu.dma_semaphore, #tpu.memory_space<semaphore_mem>>) src(%arg7 : memref<16xi32, #tpu.memory_space<vmem>>) dst(%arg4 : memref<16xi32, #tpu.memory_space<hbm>>)
        tpu.yield
      }) : () -> ()
    } else {
    }
    return
  }
}

module attributes {stable_mosaic.version = 14 : i64} {
  func.func @_scatter_kernel(%arg0: memref<16xi32, #tpu.memory_space<smem>>, %arg1: memref<512x512xf32, #tpu.memory_space<any>>, %arg2: memref<256x512x512xf32, #tpu.memory_space<any>>, %arg3: memref<256x512x512xf32, #tpu.memory_space<any>>, %arg4: memref<!tpu.dma_semaphore, #tpu.memory_space<semaphore_mem>>) attributes {dimension_semantics = [], scalar_prefetch = 0 : i64, scratch_operands = 1 : i64, tpu.core_type = #tpu.core_type<tc>} {
    %get3A = arith.constant 0 : index
    %get3A_0 = memref.load %arg0[%get3A] : memref<16xi32, #tpu.memory_space<smem>>
    %dma_start3A = arith.constant 0 : i32
    %dma_start3A_1 = arith.constant 0 : i32
    %dma_start3A_2 = tpu.memref_slice %arg3[%get3A_0, %dma_start3A, %dma_start3A_1] : memref<256x512x512xf32, #tpu.memory_space<any>> -> memref<1x512x512xf32, #tpu.memory_space<any>>
    %dma_start3A_3 = tpu.memref_squeeze %dma_start3A_2 : memref<1x512x512xf32, #tpu.memory_space<any>> -> memref<512x512xf32, #tpu.memory_space<any>>
    tpu.enqueue_dma source(%arg1 : memref<512x512xf32, #tpu.memory_space<any>>) target(%dma_start3A_3 : memref<512x512xf32, #tpu.memory_space<any>>) target_semaphore(%arg4 : memref<!tpu.dma_semaphore, #tpu.memory_space<semaphore_mem>>)
    %dma_wait3A = arith.constant 0 : i32
    %dma_wait3A_4 = arith.constant 0 : i32
    %dma_wait3A_5 = tpu.memref_slice %arg3[%get3A_0, %dma_wait3A, %dma_wait3A_4] : memref<256x512x512xf32, #tpu.memory_space<any>> -> memref<1x512x512xf32, #tpu.memory_space<any>>
    %dma_wait3A_6 = tpu.memref_squeeze %dma_wait3A_5 : memref<1x512x512xf32, #tpu.memory_space<any>> -> memref<512x512xf32, #tpu.memory_space<any>>
    tpu.wait_dma2 semaphore(%arg4 : memref<!tpu.dma_semaphore, #tpu.memory_space<semaphore_mem>>) src(%arg1 : memref<512x512xf32, #tpu.memory_space<any>>) dst(%dma_wait3A_6 : memref<512x512xf32, #tpu.memory_space<any>>)
    return
  }
}

module attributes {stable_mosaic.version = 14 : i64} {
  func.func @_zero_kernel(%arg0: i32, %arg1: memref<4x512x512xf32, #tpu.memory_space<vmem>>) attributes {dimension_semantics = [#tpu.dimension_semantics<arbitrary>], iteration_bounds = array<i64: 64>, scalar_prefetch = 0 : i64, scratch_operands = 0 : i64, tpu.core_type = #tpu.core_type<tc>, window_params = [{transform_indices = @transform_0, window_bounds = array<i64: 4, 512, 512>}]} {
    %broadcast_in_dim3A = arith.constant 0.000000e+00 : f32
    %broadcast_in_dim3A_0 = vector.broadcast %broadcast_in_dim3A : f32 to vector<4x512x512xf32>
    %swap3A = arith.constant 0 : index
    %swap3A_1 = arith.constant 0 : index
    %swap3A_2 = arith.constant 0 : index
    %swap3A_3 = vector.load %arg1[%swap3A, %swap3A_1, %swap3A_2] : memref<4x512x512xf32, #tpu.memory_space<vmem>>, vector<4x512x512xf32>
    tpu.vector_store %arg1[%swap3A, %swap3A_1, %swap3A_2], %broadcast_in_dim3A_0 {strides = array<i32>} : memref<4x512x512xf32, #tpu.memory_space<vmem>>, vector<4x512x512xf32>,
    return
  }
  func.func @transform_0(%arg0: i32) -> (i32, i32, i32) {
    %c0_i32 = arith.constant 0 : i32
    %c0_i32_0 = arith.constant 0 : i32
    %c0_i32_1 = arith.constant 0 : i32
    return %arg0, %c0_i32, %c0_i32_0 : i32, i32, i32
  }
}

</mosaic_0001>

<sc_bundles>
// kernel: kernel.5.cloned.1.call-start
scs
__scs_entry_jumppad:
0x0: {  	(pc) =	sbr.rel $0x88, $3  }
0x1: {  	(tag) =	ssettag $0x0;
	lr =	simm.s32 $0x1  }
0x2: {  	[smem:$0x3F9E] =	sst lr;
	_ =	strace $0xD0000000  }
0x3: {  	_ = 	snop  }
0x4: {  	_ = 	snop  }
0x5: {  	_ = 	snop  }
0x6: {  	_ = 	snop  }
0x7: {  	_ = 	snop  }
__scs_overlays_trampoline_lowered:
0x8: {  	[smem:$0x3FAD] =	sst s0  }
0x9: {  	[smem:$0x3FAE] =	sst s1  }
0xa: {  	[smem:$0x3FAF] =	sst s2  }
0xb: {  	[smem:$0x3FB0] =	sst s3  }
0xc: {  	[smem:$0x3FB1] =	sst s4  }
0xd: {  	[smem:$0x3FB2] =	sst s5  }
0xe: {  	[smem:$0x3FB3] =	sst s6  }
0xf: {  	[smem:$0x3FB4] =	sst s7  }
0x10: {  	[smem:$0x3FB5] =	sst s8  }
0x11: {  	[smem:$0x3FB6] =	sst s9;
	s0 =	simm.s32 @!p0 $0x0  }
0x12: {  	s1 =	sld [smem:$0x3F9C];
	s0 =	simm.s32 @p0 $0x1  }
0x13: {  	[smem:$0x3FB7] =	sst s0;
	s0 =	simm.s32 @!p1 $0x0  }
0x14: {  	s2 =	sld [smem:$0x3F9B];
	s0 =	simm.s32 @p1 $0x1  }
0x15: {  	[smem:$0x3FB8] =	sst s0;
	s0 =	simm.s32 @!p2 $0x0  }
0x16: {  	s3 =	sld [smem:$0x3FDB];
	s0 =	simm.s32 @p2 $0x1  }
0x17: {  	s4 =	simm.s32 $0x1BF5;
	[smem:$0x3FBA] =	sst s0  }
0x18: {  	s0 =	sld [smem:$0x3F9D];
	_ =	swait.ge [sflag:s4], $0x0  }
0x19: {  	s7 =	sld [smem:$0x3F9E]  }
0x1a: {  	s8 =	sadd.s32 $0xFFFFE003, lr  }
0x1b: {  	s9 =	sadd.s32 $0xFFFFFEF7, lr;
	s5 =	simm.s32 $0xFFFFFFFF;
	p2 =	slt.u32 s8, $0xFFFFF086  }
0x1c: {  	p1 =	slt.u32 s9, $0xF7A;
	s5 =	simm.s32 @!p2 $0x0  }
0x1d: {  	s5 =	simm.s32 @p1 $0x1;
	p0 =	seq.s32 s7, s2  }
0x1e: {  	s7 =	smul.u32 @!p0 $0xF7A, s2;
	p2 =	seq.s32 @!p0 s5, $0x0  }
0x1f: {  	s9 =	smul.u32 $0xF7A, s1;
	s8 =	simm.s32 @!p0 $0x1BF5;
	p2 =	por !p2, p0  }
0x20: {  	[sflag:s8] =	ssyncset.s32 @!p0 $0xFFFFF086;
	s6 =	sadd.s32 @!p0 s3, s7;
	s7 =	simm.s32 @!p0 $0x108  }
0x21: {  	s3 =	sadd.s32 s3, s9;
	s6 =	sadd.s32 @!p0 $0x88, s6;
	s7 =	simm.s32 @p2 $0x1082  }
0x22: {  	[simem:s7], [sflag:s8] =	dma.local @!p0 [hbm:s6], $0xF7A  }
0x23: {  	s9 =	sor.u32 $0xD0000000, s2;
	s6 =	simm.s32 $0x108;
	_ =	swait.ge @!p0 [sflag:s8], $0x0  }
0x24: {  	s3 =	sadd.s32 $0x88, s3;
	s6 =	simm.s32 @!p1 $0x1082;
	[sflag:s4] =	ssyncset.s32 $0xFFFFF086  }
0x25: {  	[simem:s6], [sflag:s4] =	dma.local [hbm:s3], $0xF7A  }
0x26: {  	[smem:$0x3F9E] =	sst s1;
	(tag) =	ssettag s2;
	_ =	strace s9  }
0x27: {  	s1 =	sld [smem:$0x3FAE]  }
0x28: {  	s2 =	sld [smem:$0x3FAF]  }
0x29: {  	s4 =	sld [smem:$0x3FB1]  }
0x2a: {  	p0 =	seq.s32 s5, $0x0;
	s5 =	sld [smem:$0x3FB2]  }
0x2b: {  	s6 =	sld [smem:$0x3FB3]  }
0x2c: {  	s7 =	sld [smem:$0x3FB4]  }
0x2d: {  	s3 =	simm.s32 $0x108;
	s8 =	sld [smem:$0x3FB5]  }
0x2e: {  	s3 =	simm.s32 @!p0 $0x1082;
	s9 =	sld [smem:$0x3FB6]  }
0x2f: {  	lr =	sadd.s32 s0, s3;
	s0 =	sld [smem:$0x3FAD]  }
0x30: {  	s3 =	sld [smem:$0x3FB0]  }
0x31: {  	[smem:$0x3FB9] =	sst s10  }
0x32: {  	s10 =	sld [smem:$0x3FB7];
	_ =	sdelay $0x3  }
0x33: {  	p0 =	seq.s32 s10, $0x1;
	s10 =	sld [smem:$0x3FB9];
	_ =	sdelay $0x3  }
0x34: {  	[smem:$0x3FB9] =	sst s10  }
0x35: {  	s10 =	sld [smem:$0x3FB8];
	_ =	sdelay $0x3  }
0x36: {  	p1 =	seq.s32 s10, $0x1;
	s10 =	sld [smem:$0x3FB9];
	_ =	sdelay $0x3  }
0x37: {  	[smem:$0x3FB9] =	sst s10  }
0x38: {  	s10 =	sld [smem:$0x3FBA]  }
0x39: {  	_ = 	snop;
	(pc) =	sbr.ind lr, $3  }
0x3a: {  	_ = 	snop  }
0x3b: {  	_ = 	snop  }
0x3c: {  	p2 =	seq.s32 s10, $0x1;
	s10 =	sld [smem:$0x3FB9]  }
0x3d: {  	_ =	shalt  }
0x3e: {  	_ =	shalt  }
0x3f: {  	_ =	shalt  }
0x40: {  	_ =	shalt  }
0x41: {  	_ =	shalt  }
0x42: {  	_ =	shalt  }
0x43: {  	_ =	shalt  }
0x44: {  	_ =	shalt  }
0x45: {  	_ =	shalt  }
0x46: {  	_ =	shalt  }
0x47: {  	_ =	shalt  }
0x48: {  	_ =	shalt  }
0x49: {  	_ =	shalt  }
0x4a: {  	_ =	shalt  }
0x4b: {  	_ =	shalt  }
0x4c: {  	_ =	shalt  }
0x4d: {  	_ =	shalt  }
0x4e: {  	_ =	shalt  }
0x4f: {  	_ =	shalt  }
0x50: {  	_ =	shalt  }
0x51: {  	_ =	shalt  }
0x52: {  	_ =	shalt  }
0x53: {  	_ =	shalt  }
0x54: {  	_ =	shalt  }
0x55: {  	_ =	shalt  }
0x56: {  	_ =	shalt  }
0x57: {  	_ =	shalt  }
0x58: {  	_ =	shalt  }
0x59: {  	_ =	shalt  }
0x5a: {  	_ =	shalt  }
0x5b: {  	_ =	shalt  }
0x5c: {  	_ =	shalt  }
0x5d: {  	_ =	shalt  }
0x5e: {  	_ =	shalt  }
0x5f: {  	_ =	shalt  }
0x60: {  	_ =	shalt  }
0x61: {  	_ =	shalt  }
0x62: {  	_ =	shalt  }
0x63: {  	_ =	shalt  }
0x64: {  	_ =	shalt  }
0x65: {  	_ =	shalt  }
0x66: {  	_ =	shalt  }
0x67: {  	_ =	shalt  }
0x68: {  	_ =	shalt  }
0x69: {  	_ =	shalt  }
0x6a: {  	_ =	shalt  }
0x6b: {  	_ =	shalt  }
0x6c: {  	_ =	shalt  }
0x6d: {  	_ =	shalt  }
0x6e: {  	_ =	shalt  }
0x6f: {  	_ =	shalt  }
0x70: {  	_ =	shalt  }
0x71: {  	_ =	shalt  }
0x72: {  	_ =	shalt  }
0x73: {  	_ =	shalt  }
0x74: {  	_ =	shalt  }
0x75: {  	_ =	shalt  }
0x76: {  	_ =	shalt  }
0x77: {  	_ =	shalt  }
0x78: {  	_ =	shalt  }
0x79: {  	_ =	shalt  }
0x7a: {  	_ =	shalt  }
0x7b: {  	_ =	shalt  }
0x7c: {  	_ =	shalt  }
0x7d: {  	_ =	shalt  }
0x7e: {  	_ =	shalt  }
0x7f: {  	_ =	shalt  }
0x80: {  	_ =	shalt  }
0x81: {  	_ =	shalt  }
0x82: {  	_ =	shalt  }
0x83: {  	_ =	shalt  }
0x84: {  	_ =	shalt  }
0x85: {  	_ =	shalt  }
0x86: {  	_ =	shalt  }
0x87: {  	_ =	shalt  }
.Lfunc_end0:
.L_simem_size_0:
called_computation_lowered:
.L_overlay_start_0:
0x88: {  	s2 =	sld [smem:$0x3FD9]  }
0x89: {  	s3 =	sld [smem:$0x3FFE];
	_ =	sdelay $0x1  }
0x8a: {  	s1 =	srdreg.scid  }
0x8b: {  	s0 =	sand.u32 $0x1, s1  }
0x8c: {  	s16 =	sshll.u32 s0, $0xA;
	s2 =	sadd.s32 s3, s2  }
0x8d: {  	s2 =	sadd.s32 s2, s16  }
0x8e: {  	[smem:$0x3FC5] =	sst s2  }
0x8f: {  	_ = 	snop  }
0x90: {  	(tm) =	ssettm $0x1  }
0x91: {  	s17 =	sld [smem:$0x3FFB];
	_ =	sdelay $0x3  }
0x92: {  	_ =	strace s17  }
0x93: {  	s2 =	sld [smem:$0x3FFC];
	_ =	sdelay $0x3  }
0x94: {  	_ =	strace s2  }
0x95: {  	s2 =	sld [smem:$0x3FFD];
	_ =	sdelay $0x3  }
0x96: {  	_ =	strace s2  }
0x97: {  	_ =	strace $0x8FFFFFFF  }
0x98: {  	s18 =	sld [smem:$0x3FDB];
	_ =	sdelay $0x1  }
0x99: {  	s19 =	simm.s32 $_scs_section_size  }
0x9a: {  	s4 =	simm.s32 $_size__tile_overlayer_lowered;
	s5 =	simm.s32 $_tile_overlayer_lowered  }
0x9b: {  	s22 =	simm.s32 $0x1BFF;
	s21 =	sshll.u32 s5, $0x1;
	s2 =	sadd.s32 s19, s18  }
0x9c: {  	s6 =	simm.s32 $0x0;
	s20 =	sshll.u32 s4, $0x1;
	s4 =	sadd.s32 s21, s2  }
0x9d: {  	[timem:s6], [sflag:s22] =	dma.local [hbm:s4], s20  }
0x9e: {  	_ =	swait.ge [sflag:s22], s20  }
0x9f: {  	s3 =	ssub.s32 $0x0, s20;
	[sflag:s22] =	ssyncset.done $0x0  }
0xa0: {  	[sflag:s22] =	ssyncadd.s32 s3;
	_ =	sdelay $0x1  }
0xa1: {  	s23 =	simm.s32 $0x1B8B  }
0xa2: {  	_ =	swait.ge [sflag:s23], $0x1  }
0xa3: {  	[sflag:s23] =	ssyncset.done $0x0  }
0xa4: {  	s25 =	simm.s32 $0x1B8E;
	s24 =	sld [smem:$0x3FFE];
	[sflag:s23] =	ssyncadd.s32 $0xFFFFFFFF  }
0xa5: {  	s26 =	simm.s32 $execute0_lowered;
	[smem:$0x3FD2] =	sst s25  }
0xa6: {  	s4 =	sshll.u32 s26, $0x1;
	_ =	strace $0x80000046;
	[dreg:$0x1] =	wrdreg $0xFFFFFFFF  }
0xa7: {  	s28 =	simm.s32 $_size_execute0_lowered;
	s2 =	sadd.s32 s2, s4;
	[dreg:$0x0] =	wrdreg $0x0  }
0xa8: {  	s4 =	sshll.u32 s28, $0x1;
	[dreg:$0x2] =	wrdreg s2  }
0xa9: {  	[dreg:$0x3] =	wrdreg s4  }
0xaa: {  	[dreg:$0x4] =	wrdreg $0xC0  }
0xab: {  	_ =	task [dreg:s6], $0x5FFFF  }
0xac: {  	[dreg:$0x1] =	wrdreg $0xFFFFFFFF  }
0xad: {  	[dreg:$0x0] =	wrdreg $0x60  }
0xae: {  	[dreg:$0x2] =	wrdreg s24  }
0xaf: {  	[dreg:$0x3] =	wrdreg $0x9  }
0xb0: {  	_ =	task.clear_ibuf [dreg:s6], $0x4FFFF;
	_ =	strace $0x90000046  }
0xb1: {  	s29 =	simm.s32 $0x9;
	_ =	strace $0x80000048  }
0xb2: {  	_ =	swait.ge [sflag:s29], $0x1  }
0xb3: {  	[sflag:s29] =	ssyncadd.s32 $0xFFFFFFFF  }
0xb4: {  	_ =	strace $0x90000048  }
0xb5: {  	_ =	sfence  }
0xb6: {  	s30 =	sld [smem:$0x0];
	_ =	sdelay $0x2  }
0xb7: {  	s31 =	sshll.u32 s1, $0xD;
	s1 =	sshrl.u32 s1, $0x2  }
0xb8: {  	s3 =	sand.u32 $0x4000, s31;
	s1 =	sadd.s32 s1, s30  }
0xb9: {  	s0 =	sor.u32 s3, s0;
	s1 =	sshll.u32 s1, $0x11  }
0xba: {  	s0 =	sor.u32 s1, s0  }
0xbb: {  	s0 =	sadd.s32 $0x8F2B, s0  }
0xbc: {  	[sflag:s0] =	ssyncadd.remote.s32 $0x1  }
0xbd: {  	_ =	sfence.sel $0xFFFF  }
0xbe: {  	[dreg:$0x0] =	wrdreg $0xFFFFFFFF;
	(pc) =	sbr.abs _section_cstart, $3  }
0xbf: {  	[dreg:$0x1] =	wrdreg $0xFFFFFFFF  }
0xc0: {  	_ =	task.clear_ibuf [dreg:s6], $0x2FFFF;
	_ =	strace $0x9FFFFFFF  }
0xc1: {  	(tm) =	ssettm $0x7FFFFFFF  }
tec
execute0_lowered:
.L_overlay_start_1:
0x0: {  	(tag) =	ssettag $0x1  }
0x1: {  	s0 =	srdreg.scid  }
0x2: {  	s2 =	sand.u32 $0x1, s0;
	s0 =	stileid.u32  }
0x3: {  	s3 =	sshll.u32 s0, $0x1;
	s5 =	ssub.s32 $0x0, s2  }
0x4: {  	p0 =	sne.s32 s3, s5  }
.Ltmp0:
0x5: {  	_ = 	snop;
	(pc) =	sbr.rel @p0 .LBB2_5-.Ltmp0, $3  }
0x6: {  	_ =	sdelay $0x1  }
0x7: {  	s4 =	rddreg [dreg:$0x0]  }
0x8: {  	s1 =	rddreg [dreg:$0x1];
	_ =	strace $0x80000047  }
0x9: {  	s5 =	ssub.s32 $0x2, s2;
	s2 =	sadd.s32 $0x1200, s4;
	s3 =	sadd.s32 $0x1000, s4  }
0xa: {  	s4 =	sadd.s32 $0x1400, s4;
	s7 =	simm.s32 $0x1;
	s6 =	sshrl.u32 s5, $0x1  }
0xb: {  	s8 =	simm.s32 $0x100;
	s9 =	simm.s32 $0x180;
	s5 =	ssub.s32 s5, s6  }
0xc: {  	s10 =	simm.s32 $0x0;
	s6 =	simm.s32 $0x0;
	s5 =	smax.u32 s5, $0x1  }
.LBB2_2:
0xd: {  	[tilespmem:s6], [sflag:$0x1] =	stream.linear.gather [hbm4b:s3+s6], $0x100, $0x38;
	[tilespmem:$0x200] =	vst v63  }
0xe: {  	_ =	swait.ge [sflag:s7], $0x100  }
0xf: {  	[sflag:s7] =	ssyncset.done $0x0  }
0x10: {  	[sflag:s7] =	ssyncadd.s32 $0xFFFFFF00  }
0x11: {  	[tilespmem:s8], [sflag:$0x1] =	stream.linear.gather [hbm4b:s2+s6], $0x80, $0x38;
	[tilespmem:$0x200] =	vst v63  }
0x12: {  	_ =	swait.ge [sflag:s7], $0x80  }
0x13: {  	[sflag:s7] =	ssyncset.done $0x0  }
0x14: {  	[sflag:s7] =	ssyncadd.s32 $0xFFFFFF80  }
0x15: {  	v0 =	vld [tilespmem:s6+$0x0];
	_ =	sdelay $0x4  }
0x16: {  	(v2sf) =	vpush v0, $0x0;
	_ =	sdelay $0x2  }
0x17: {  	(v2sf) =	vpush v0, $0x1;
	_ =	sdelay $0x2  }
0x18: {  	(v2sf) =	vpush v0, $0x2;
	_ =	sdelay $0x2  }
0x19: {  	(v2sf) =	vpush v0, $0x3;
	_ =	sdelay $0x2  }
0x1a: {  	(v2sf) =	vpush v0, $0x4;
	_ =	sdelay $0x2  }
0x1b: {  	s11 =	spop (v2sf)  }
0x1c: {  	s12 =	simm.s32 $0x0;
	s13 =	simm.s32 $0x40000000;
	(v2sf) =	vpush v0, $0x5;
	p0 =	seq.s32 s11, $0x0  }
0x1d: {  	p1 =	por $0x1, $0x1;
	s11 =	simm.s32 $0x40000000;
	s13 =	smov.u32 @p0 s12  }
0x1e: {  	s24 =	spop (v2sf);
	(v2sf) =	vpush v0, $0x6;
	s11 =	smov.u32 @p1 s13  }
0x1f: {  	s12 =	simm.s32 $0x1;
	p0 =	seq.s32 s11, $0x40000000;
	s14 =	smov.u32 s11  }
0x20: {  	p1 =	seq.s32 s24, $0x0;
	s14 =	smov.u32 @p0 s12  }
0x21: {  	s25 =	spop (v2sf);
	(v2sf) =	vpush v0, $0x7;
	s11 =	smov.u32 @p1 s14  }
0x22: {  	s12 =	simm.s32 $0x2;
	p0 =	seq.s32 s11, $0x40000000;
	s14 =	smov.u32 s11  }
0x23: {  	p1 =	seq.s32 s25, $0x0;
	s14 =	smov.u32 @p0 s12  }
0x24: {  	s26 =	spop (v2sf);
	(v2sf) =	vpush v0, $0x8;
	s11 =	smov.u32 @p1 s14  }
0x25: {  	s12 =	simm.s32 $0x3;
	p0 =	seq.s32 s11, $0x40000000;
	s14 =	smov.u32 s11  }
0x26: {  	p1 =	seq.s32 s26, $0x0;
	s14 =	smov.u32 @p0 s12  }
0x27: {  	s28 =	spop (v2sf);
	s11 =	smov.u32 @p1 s14  }
0x28: {  	(v2sf) =	vpush v0, $0x9;
	s12 =	simm.s32 $0x4;
	p0 =	seq.s32 s11, $0x40000000;
	s14 =	smov.u32 s11  }
0x29: {  	p1 =	seq.s32 s28, $0x0;
	s14 =	smov.u32 @p0 s12  }
0x2a: {  	s12 =	simm.s32 $0x5;
	s11 =	smov.u32 @p1 s14  }
0x2b: {  	s29 =	spop (v2sf);
	p0 =	seq.s32 s11, $0x40000000;
	s14 =	smov.u32 s11  }
0x2c: {  	(v2sf) =	vpush v0, $0xA;
	p1 =	seq.s32 s29, $0x0;
	s14 =	smov.u32 @p0 s12  }
0x2d: {  	s30 =	spop (v2sf);
	s11 =	smov.u32 @p1 s14  }
0x2e: {  	s12 =	simm.s32 $0x6;
	p0 =	seq.s32 s11, $0x40000000;
	s14 =	smov.u32 s11  }
0x2f: {  	p1 =	seq.s32 s30, $0x0;
	s14 =	smov.u32 @p0 s12  }
0x30: {  	s31 =	spop (v2sf);
	(v2sf) =	vpush v0, $0xB;
	s11 =	smov.u32 @p1 s14  }
0x31: {  	s12 =	simm.s32 $0x7;
	p0 =	seq.s32 s11, $0x40000000;
	s14 =	smov.u32 s11  }
0x32: {  	s13 =	simm.s32 $0xF;
	p1 =	seq.s32 s31, $0x0;
	s14 =	smov.u32 @p0 s12  }
0x33: {  	s15 =	spop (v2sf);
	s12 =	simm.s32 $0x1F;
	s11 =	smov.u32 @p1 s14  }
0x34: {  	(v2sf) =	vpush v0, $0xC;
	s14 =	simm.s32 $0x8;
	p0 =	seq.s32 s11, $0x40000000;
	s16 =	smov.u32 s11  }
0x35: {  	p1 =	seq.s32 s15, $0x0;
	s16 =	smov.u32 @p0 s14;
	s14 =	simm.s32 $0x10  }
0x36: {  	(v2sf) =	vpush v0, $0xD;
	s15 =	simm.s32 $0x2F;
	v1 =	vld [tilespmem:s14+$0x0];
	s11 =	smov.u32 @p1 s16;
	s16 =	simm.s32 $0x9  }
.LBB2_3:
0x37: {  	p0 =	sne.s32 s15, $0xFF;
	s17 =	spop (v2sf)  }
0x38: {  	p1 =	seq.s32 s11, $0x40000000;
	(v2sf) =	vpush v0, $0xE;
	p2 =	seq.s32 s17, $0x0;
	s17 =	smov.u32 s11  }
0x39: {  	s17 =	smov.u32 @p1 s16  }
0x3a: {  	s11 =	smov.u32 @p2 s17  }
0x3b: {  	s16 =	sadd.s32 $0xFFFFFFFB, s13;
	s17 =	spop (v2sf)  }
0x3c: {  	p1 =	seq.s32 s11, $0x40000000;
	(v2sf) =	vpush v0, $0xF;
	p2 =	seq.s32 s17, $0x0;
	s17 =	smov.u32 s11  }
0x3d: {  	v0 =	vmov v1;
	(v2sf) =	vpush v1, $0x0;
	s17 =	smov.u32 @p1 s16  }
0x3e: {  	s11 =	smov.u32 @p2 s17  }
0x3f: {  	s16 =	sadd.s32 $0xFFFFFFFC, s13;
	s17 =	spop (v2sf)  }
0x40: {  	p1 =	seq.s32 s11, $0x40000000;
	p2 =	seq.s32 s17, $0x0;
	s17 =	smov.u32 s11  }
0x41: {  	s17 =	smov.u32 @p1 s16  }
0x42: {  	(v2sf) =	vpush v0, $0x1;
	s11 =	smov.u32 @p2 s17  }
0x43: {  	s16 =	sadd.s32 $0xFFFFFFFD, s13;
	s17 =	spop (v2sf)  }
0x44: {  	p1 =	seq.s32 s11, $0x40000000;
	p2 =	seq.s32 s17, $0x0;
	s17 =	smov.u32 s11  }
0x45: {  	s17 =	smov.u32 @p1 s16  }
0x46: {  	(v2sf) =	vpush v0, $0x2;
	s11 =	smov.u32 @p2 s17  }
0x47: {  	s16 =	sadd.s32 $0xFFFFFFFE, s13;
	s17 =	spop (v2sf)  }
0x48: {  	p1 =	seq.s32 s11, $0x40000000;
	p2 =	seq.s32 s17, $0x0;
	s17 =	smov.u32 s11  }
0x49: {  	s17 =	smov.u32 @p1 s16  }
0x4a: {  	(v2sf) =	vpush v0, $0x3;
	s11 =	smov.u32 @p2 s17  }
0x4b: {  	s16 =	sadd.s32 $0xFFFFFFFF, s13;
	s17 =	spop (v2sf)  }
0x4c: {  	p1 =	seq.s32 s11, $0x40000000;
	p2 =	seq.s32 s17, $0x0;
	s17 =	smov.u32 s11  }
0x4d: {  	s17 =	smov.u32 @p1 s16  }
0x4e: {  	(v2sf) =	vpush v0, $0x4;
	s11 =	smov.u32 @p2 s17  }
0x4f: {  	s16 =	spop (v2sf)  }
0x50: {  	p1 =	seq.s32 s11, $0x40000000;
	p2 =	seq.s32 s16, $0x0;
	s16 =	smov.u32 s11  }
0x51: {  	s16 =	smov.u32 @p1 s13  }
0x52: {  	s17 =	spop (v2sf);
	s11 =	smov.u32 @p2 s16  }
0x53: {  	s13 =	sadd.s32 $0xFFFFFFF1, s12;
	p1 =	seq.s32 s17, $0x0;
	(v2sf) =	vpush v0, $0x5;
	s16 =	smov.u32 s11  }
0x54: {  	p2 =	seq.s32 s11, $0x40000000;
	s16 =	smov.u32 @p1 s13;
	s13 =	smov.u32 s12  }
0x55: {  	s12 =	smov.u32 s15;
	s11 =	smov.u32 @p2 s16  }
0x56: {  	s16 =	sadd.s32 $0xFFFFFFF2, s13;
	s17 =	spop (v2sf)  }
0x57: {  	p1 =	seq.s32 s11, $0x40000000;
	(v2sf) =	vpush v0, $0x6;
	p2 =	seq.s32 s17, $0x0;
	s17 =	smov.u32 s11  }
0x58: {  	s17 =	smov.u32 @p1 s16  }
0x59: {  	s11 =	smov.u32 @p2 s17  }
0x5a: {  	s16 =	sadd.s32 $0xFFFFFFF3, s13;
	s17 =	spop (v2sf)  }
0x5b: {  	p1 =	seq.s32 s11, $0x40000000;
	(v2sf) =	vpush v0, $0x7;
	p2 =	seq.s32 s17, $0x0;
	s17 =	smov.u32 s11  }
0x5c: {  	s17 =	smov.u32 @p1 s16  }
0x5d: {  	s11 =	smov.u32 @p2 s17  }
0x5e: {  	s16 =	sadd.s32 $0xFFFFFFF4, s13;
	s17 =	spop (v2sf)  }
0x5f: {  	p1 =	seq.s32 s11, $0x40000000;
	(v2sf) =	vpush v0, $0x8;
	p2 =	seq.s32 s17, $0x0;
	s17 =	smov.u32 s11  }
0x60: {  	s17 =	smov.u32 @p1 s16  }
0x61: {  	s11 =	smov.u32 @p2 s17  }
0x62: {  	s16 =	sadd.s32 $0xFFFFFFF5, s13;
	s17 =	spop (v2sf)  }
0x63: {  	p1 =	seq.s32 s11, $0x40000000;
	(v2sf) =	vpush v0, $0x9;
	p2 =	seq.s32 s17, $0x0;
	s17 =	smov.u32 s11  }
0x64: {  	s17 =	smov.u32 @p1 s16  }
0x65: {  	s11 =	smov.u32 @p2 s17  }
0x66: {  	s16 =	sadd.s32 $0xFFFFFFF6, s13;
	s17 =	spop (v2sf)  }
0x67: {  	p1 =	seq.s32 s11, $0x40000000;
	(v2sf) =	vpush v0, $0xA;
	p2 =	seq.s32 s17, $0x0;
	s17 =	smov.u32 s11  }
0x68: {  	s17 =	smov.u32 @p1 s16  }
0x69: {  	s11 =	smov.u32 @p2 s17  }
0x6a: {  	s16 =	sadd.s32 $0xFFFFFFF7, s13;
	s17 =	spop (v2sf)  }
0x6b: {  	p1 =	seq.s32 s11, $0x40000000;
	(v2sf) =	vpush v0, $0xB;
	p2 =	seq.s32 s17, $0x0;
	s17 =	smov.u32 s11  }
0x6c: {  	s17 =	smov.u32 @p1 s16  }
0x6d: {  	s11 =	smov.u32 @p2 s17  }
0x6e: {  	s16 =	sadd.s32 $0xFFFFFFF8, s13;
	s17 =	spop (v2sf)  }
0x6f: {  	p1 =	seq.s32 s11, $0x40000000;
	(v2sf) =	vpush v0, $0xC;
	p2 =	seq.s32 s17, $0x0;
	s17 =	smov.u32 s11  }
0x70: {  	s17 =	smov.u32 @p1 s16  }
.Ltmp1:
0x71: {  	s11 =	smov.u32 @p2 s17;
	(pc) =	sbr.rel @p0 .LBB2_3-.Ltmp1, $4  }
0x72: {  	s16 =	sadd.s32 $0xFFFFFFF9, s13;
	s17 =	spop (v2sf)  }
0x73: {  	p1 =	seq.s32 s11, $0x40000000;
	(v2sf) =	vpush v0, $0xD;
	p2 =	seq.s32 s17, $0x0;
	s17 =	smov.u32 s11  }
0x74: {  	s14 =	sadd.s32 $0x10, s14;
	s17 =	smov.u32 @p1 s16  }
0x75: {  	s15 =	sadd.s32 $0x10, s15;
	s16 =	sadd.s32 $0xFFFFFFFA, s13;
	v1 =	vld [tilespmem:s14+$0x0];
	s11 =	smov.u32 @p2 s17  }
0x76: {  	p0 =	seq.s32 s11, $0x40000000;
	s14 =	spop (v2sf);
	(v2sf) =	vpush v0, $0xE;
	s15 =	smov.u32 s11  }
0x77: {  	p1 =	seq.s32 s14, $0x0;
	s15 =	smov.u32 @p0 s16  }
0x78: {  	s14 =	sadd.s32 $0xFFFFFFFB, s13;
	s11 =	smov.u32 @p1 s15  }
0x79: {  	s24 =	spop (v2sf);
	(v2sf) =	vpush v0, $0xF;
	p0 =	seq.s32 s11, $0x40000000;
	s16 =	smov.u32 s11  }
0x7a: {  	p1 =	seq.s32 s24, $0x0;
	s16 =	smov.u32 @p0 s14  }
0x7b: {  	(v2sf) =	vpush v1, $0x0;
	s14 =	sadd.s32 $0xFFFFFFFC, s13;
	s11 =	smov.u32 @p1 s16  }
0x7c: {  	s25 =	spop (v2sf);
	p0 =	seq.s32 s11, $0x40000000;
	s16 =	smov.u32 s11  }
0x7d: {  	p1 =	seq.s32 s25, $0x0;
	s16 =	smov.u32 @p0 s14  }
0x7e: {  	(v2sf) =	vpush v1, $0x1;
	s14 =	sadd.s32 $0xFFFFFFFD, s13;
	s11 =	smov.u32 @p1 s16  }
0x7f: {  	s26 =	spop (v2sf);
	p0 =	seq.s32 s11, $0x40000000;
	s16 =	smov.u32 s11  }
0x80: {  	p1 =	seq.s32 s26, $0x0;
	s16 =	smov.u32 @p0 s14  }
0x81: {  	(v2sf) =	vpush v1, $0x2;
	s14 =	sadd.s32 $0xFFFFFFFE, s13;
	s11 =	smov.u32 @p1 s16  }
0x82: {  	p0 =	seq.s32 s11, $0x40000000;
	s28 =	spop (v2sf);
	s16 =	smov.u32 s11  }
0x83: {  	p1 =	seq.s32 s28, $0x0;
	s16 =	smov.u32 @p0 s14  }
0x84: {  	(v2sf) =	vpush v1, $0x3;
	s14 =	sadd.s32 $0xFFFFFFFF, s13;
	s11 =	smov.u32 @p1 s16  }
0x85: {  	p0 =	seq.s32 s11, $0x40000000;
	s29 =	spop (v2sf);
	s16 =	smov.u32 s11  }
0x86: {  	p1 =	seq.s32 s29, $0x0;
	s16 =	smov.u32 @p0 s14  }
0x87: {  	(v2sf) =	vpush v1, $0x4;
	s11 =	smov.u32 @p1 s16  }
0x88: {  	s30 =	spop (v2sf);
	p0 =	seq.s32 s11, $0x40000000;
	s15 =	smov.u32 s11  }
0x89: {  	p1 =	seq.s32 s30, $0x0;
	s15 =	smov.u32 @p0 s13  }
0x8a: {  	(v2sf) =	vpush v1, $0x5;
	s31 =	spop (v2sf);
	s11 =	smov.u32 @p1 s15  }
0x8b: {  	s14 =	sadd.s32 $0xFFFFFFF1, s12;
	p0 =	seq.s32 s31, $0x0;
	s13 =	smov.u32 s11  }
0x8c: {  	p1 =	seq.s32 s11, $0x40000000;
	s13 =	smov.u32 @p0 s14  }
0x8d: {  	s16 =	spop (v2sf);
	(v2sf) =	vpush v1, $0x6;
	s11 =	smov.u32 @p1 s13  }
0x8e: {  	s13 =	sadd.s32 $0xFFFFFFF2, s12;
	p0 =	seq.s32 s11, $0x40000000;
	s15 =	smov.u32 s11  }
0x8f: {  	p1 =	seq.s32 s16, $0x0;
	s15 =	smov.u32 @p0 s13  }
0x90: {  	s17 =	spop (v2sf);
	(v2sf) =	vpush v1, $0x7;
	s11 =	smov.u32 @p1 s15  }
0x91: {  	s13 =	sadd.s32 $0xFFFFFFF3, s12;
	p0 =	seq.s32 s11, $0x40000000;
	s15 =	smov.u32 s11  }
0x92: {  	p1 =	seq.s32 s17, $0x0;
	s15 =	smov.u32 @p0 s13  }
0x93: {  	s18 =	spop (v2sf);
	(v2sf) =	vpush v1, $0x8;
	s11 =	smov.u32 @p1 s15  }
0x94: {  	s13 =	sadd.s32 $0xFFFFFFF4, s12;
	p0 =	seq.s32 s11, $0x40000000;
	s15 =	smov.u32 s11  }
0x95: {  	p1 =	seq.s32 s18, $0x0;
	s15 =	smov.u32 @p0 s13  }
0x96: {  	s19 =	spop (v2sf);
	(v2sf) =	vpush v1, $0x9;
	s11 =	smov.u32 @p1 s15  }
0x97: {  	s13 =	sadd.s32 $0xFFFFFFF5, s12;
	p0 =	seq.s32 s11, $0x40000000;
	s15 =	smov.u32 s11  }
0x98: {  	p1 =	seq.s32 s19, $0x0;
	s15 =	smov.u32 @p0 s13  }
0x99: {  	s20 =	spop (v2sf);
	(v2sf) =	vpush v1, $0xA;
	s11 =	smov.u32 @p1 s15  }
0x9a: {  	s13 =	sadd.s32 $0xFFFFFFF6, s12;
	p0 =	seq.s32 s11, $0x40000000;
	s15 =	smov.u32 s11  }
0x9b: {  	p1 =	seq.s32 s20, $0x0;
	s15 =	smov.u32 @p0 s13  }
0x9c: {  	s21 =	spop (v2sf);
	(v2sf) =	vpush v1, $0xB;
	s11 =	smov.u32 @p1 s15  }
0x9d: {  	s13 =	sadd.s32 $0xFFFFFFF7, s12;
	p0 =	seq.s32 s11, $0x40000000;
	s15 =	smov.u32 s11  }
0x9e: {  	p1 =	seq.s32 s21, $0x0;
	s15 =	smov.u32 @p0 s13  }
0x9f: {  	s22 =	spop (v2sf);
	(v2sf) =	vpush v1, $0xC;
	s11 =	smov.u32 @p1 s15  }
0xa0: {  	s13 =	sadd.s32 $0xFFFFFFF8, s12;
	p0 =	seq.s32 s11, $0x40000000;
	s15 =	smov.u32 s11  }
0xa1: {  	p1 =	seq.s32 s22, $0x0;
	s15 =	smov.u32 @p0 s13  }
0xa2: {  	s23 =	spop (v2sf);
	(v2sf) =	vpush v1, $0xD;
	s11 =	smov.u32 @p1 s15  }
0xa3: {  	s13 =	sadd.s32 $0xFFFFFFF9, s12;
	p0 =	seq.s32 s11, $0x40000000;
	s15 =	smov.u32 s11  }
0xa4: {  	p1 =	seq.s32 s23, $0x0;
	s15 =	smov.u32 @p0 s13  }
0xa5: {  	s24 =	spop (v2sf);
	(v2sf) =	vpush v1, $0xE;
	s11 =	smov.u32 @p1 s15  }
0xa6: {  	s13 =	sadd.s32 $0xFFFFFFFA, s12;
	p0 =	seq.s32 s11, $0x40000000;
	s15 =	smov.u32 s11  }
0xa7: {  	v62 =	vld [tilespmem:$0x100];
	p1 =	seq.s32 s24, $0x0;
	s15 =	smov.u32 @p0 s13  }
0xa8: {  	s25 =	spop (v2sf);
	s11 =	smov.u32 @p1 s15  }
0xa9: {  	(v2sf) =	vpush v1, $0xF;
	s13 =	sadd.s32 $0xFFFFFFFB, s12;
	p0 =	seq.s32 s11, $0x40000000;
	s15 =	smov.u32 s11  }
0xaa: {  	p1 =	seq.s32 s25, $0x0;
	s15 =	smov.u32 @p0 s13  }
0xab: {  	s26 =	spop (v2sf);
	s11 =	smov.u32 @p1 s15  }
0xac: {  	(v2sf) =	vpush v62, $0x0;
	s13 =	sadd.s32 $0xFFFFFFFC, s12;
	p0 =	seq.s32 s11, $0x40000000;
	s15 =	smov.u32 s11  }
0xad: {  	p1 =	seq.s32 s26, $0x0;
	s15 =	smov.u32 @p0 s13  }
0xae: {  	s28 =	spop (v2sf);
	s11 =	smov.u32 @p1 s15  }
0xaf: {  	s13 =	sadd.s32 $0xFFFFFFFD, s12;
	p0 =	seq.s32 s11, $0x40000000;
	s15 =	smov.u32 s11  }
0xb0: {  	p1 =	seq.s32 s28, $0x0;
	s15 =	smov.u32 @p0 s13  }
0xb1: {  	s29 =	spop (v2sf);
	s11 =	smov.u32 @p1 s15  }
0xb2: {  	s13 =	sadd.s32 $0xFFFFFFFE, s12;
	p0 =	seq.s32 s11, $0x40000000;
	s15 =	smov.u32 s11  }
0xb3: {  	p1 =	seq.s32 s29, $0x0;
	s15 =	smov.u32 @p0 s13  }
0xb4: {  	s30 =	spop (v2sf);
	s11 =	smov.u32 @p1 s15  }
0xb5: {  	s13 =	sadd.s32 $0xFFFFFFFF, s12;
	p0 =	seq.s32 s11, $0x40000000;
	s15 =	smov.u32 s11  }
0xb6: {  	p1 =	seq.s32 s30, $0x0;
	s15 =	smov.u32 @p0 s13  }
0xb7: {  	s11 =	smov.u32 @p1 s15  }
0xb8: {  	s31 =	spop (v2sf);
	p0 =	seq.s32 s11, $0x40000000;
	s14 =	smov.u32 s11  }
0xb9: {  	p1 =	seq.s32 s31, $0x0;
	s14 =	smov.u32 @p0 s12  }
0xba: {  	s11 =	smov.u32 @p1 s14  }
0xbb: {  	s12 =	spop (v2sf);
	p0 =	slt.s32 s11, $0x40000000  }
0xbc: {  	s10 =	sadd.s32 $0x1, s10;
	s12 =	smov.u32 @p0 s11  }
0xbd: {  	p0 =	sne.s32 s10, s5;
	v63 =	vmov s12  }
.Ltmp2:
0xbe: {  	[tilespmem:$0x180] =	vst v63;
	(pc) =	sbr.rel @p0 .LBB2_2-.Ltmp2, $4  }
0xbf: {  	[hbm4b:s4+s6] =	stream.linear.scatter [tilespmem:s9], [sflag:$0x1], $0x80, $0x38;
	[tilespmem:$0x200] =	vst v63  }
0xc0: {  	_ =	swait.ge [sflag:s7], $0x80  }
0xc1: {  	[sflag:s7] =	ssyncset.done $0x0  }
0xc2: {  	[sflag:s7] =	ssyncadd.s32 $0xFFFFFF80  }
.LBB2_5:
0xc3: {  	_ =	sfence.sel $0x180000  }
0xc4: {  	[bflag:$0x0] =	sbarrier.arrive $0xFFFF  }
0xc5: {  	p0 =	sne.s32 s0, $0x0;
	_ =	strace $0x90000047  }
0xc6: {  	s0 =	sadd.s32 @!p0 $0x100000, s1;
	[bflag:$0x2] =	sbarrier.arrive $0xFFFF  }
0xc7: {  	[sflag:s0] =	ssyncadd.tile.s32 @!p0 $0x1;
	_ =	shalt  }
.Lfunc_end2:
_tile_overlayer_lowered:
.L_overlay_start_2:
0xc8: {  	(tag) =	ssettag $0x2  }
0xc9: {  	s0 =	rddreg [dreg:$0x0];
	s2 =	stileid.u32  }
0xca: {  	s1 =	rddreg [dreg:$0x1];
	p0 =	sne.s32 s2, $0x0  }
0xcb: {  	s3 =	rddreg [dreg:$0x2];
	[bflag:$0x3] =	sbarrier.arrive $0xFFFF;
	s2 =	simm.s32 @!p0 $0x1C01  }
0xcc: {  	[timem:s3], [sflag:s2] =	dma.local @!p0 [hbm:s0], s1  }
0xcd: {  	s0 =	simm.s32 @!p0 $0x1  }
0xce: {  	_ =	swait.ge @!p0 [sflag:s0], s1  }
0xcf: {  	s1 =	ssub.s32 @!p0 $0x0, s1;
	[sflag:s0] =	ssyncset.done @!p0 $0x0  }
0xd0: {  	[sflag:s0] =	ssyncadd.s32 @!p0 s1  }
0xd1: {  	[bflag:$0x3] =	sbarrier.arrive $0xFFFF  }
0xd2: {  	_ =	shalt  }

</sc_bundles>
